<compile_context>
chip_gen: v7x
topology: tpu7x:2x2x1
jax: 0.10.2.dev20260603
libtpu: 0.0.44.dev20260713+nightly
codegen_flags: <defaults>
</compile_context>

<pallas_src>
import functools

import jax
import jax.numpy as jnp
from jax import lax
from jax.experimental import pallas as pl
from jax.experimental.pallas import tpu as pltpu
from jax.experimental.pallas import tpu_sc as plsc

_B = 1024
_L = 256
_LANES = 16
_NC = 2
_NS = 16
_NW = _NC * _NS
_B_SC = 384
_RPW = _B_SC // _NW
_LPAD = _L + 16

_sc_mesh = plsc.VectorSubcoreMesh(core_axis_name="c", subcore_axis_name="s")


@functools.partial(
    pl.kernel,
    mesh=_sc_mesh,
    compiler_params=pltpu.CompilerParams(
        use_tc_tiling_on_sc=False, needs_layout_passes=False
    ),
    out_type=jax.ShapeDtypeStruct((_NC, _LANES), jnp.float32),
    scratch_types=[
        pltpu.VMEM((_RPW, _LPAD), jnp.int32),
        pltpu.VMEM((_LANES,), jnp.float32),
        pltpu.VMEM((_NS, _LANES), jnp.float32),
        pltpu.VMEM_SHARED((_NS, _LANES), jnp.float32),
    ],
)
def _bpmll_sc(pk_hbm, out_hbm, pk_v, out_v, all_v, shared):
    cid = lax.axis_index("c")
    sid = lax.axis_index("s")
    wid = sid * _NC + cid
    row0 = wid * _RPW
    pltpu.sync_copy(
        pk_hbm.at[pl.ds(row0, _RPW)], pk_v.at[pl.ds(0, _RPW), pl.ds(0, _L)]
    )
    lanes = lax.iota(jnp.int32, _LANES)
    rows = jnp.minimum(lanes, _RPW - 1)

    def col_body(i, carry):
        sa_neg, sa_pos, cnta, sb_neg, sb_pos, cntb = carry
        c = i * 2
        colsa = jnp.full((_LANES,), 0, jnp.int32) + c
        ya = plsc.load_gather(pk_v, [rows, colsa])
        yb = plsc.load_gather(pk_v, [rows, colsa + 1])
        ta = ya & 1
        tb = yb & 1
        xa = plsc.bitcast(ya & -2, jnp.float32)
        xb = plsc.bitcast(yb & -2, jnp.float32)
        posa = ta == 1
        posb = tb == 1
        ea = jnp.exp(jnp.where(posa, -xa, xa))
        eb = jnp.exp(jnp.where(posb, -xb, xb))
        sa_neg = sa_neg + jnp.where(posa, 0.0, ea)
        sb_neg = sb_neg + jnp.where(posb, 0.0, eb)
        sa_pos = sa_pos + jnp.where(posa, ea, 0.0)
        sb_pos = sb_pos + jnp.where(posb, eb, 0.0)
        cnta = cnta + ta
        cntb = cntb + tb
        return sa_neg, sa_pos, cnta, sb_neg, sb_pos, cntb

    zf = jnp.zeros((_LANES,), jnp.float32)
    zi = jnp.zeros((_LANES,), jnp.int32)
    sa_neg, sa_pos, cnta, sb_neg, sb_pos, cntb = lax.fori_loop(
        0, _L // 2, col_body, (zf, zf, zi, zf, zf, zi)
    )
    s_neg = sa_neg + sb_neg
    s_pos = sa_pos + sb_pos
    cnt = cnta + cntb
    npos = cnt.astype(jnp.float32)
    nneg = jnp.float32(_L) - npos
    partial = jnp.where(
        lanes < _RPW, s_neg * s_pos / (npos * nneg * jnp.float32(_B)), 0.0
    )
    out_v[:] = partial
    pltpu.sync_copy(out_v, shared.at[sid])
    plsc.subcore_barrier()

    @pl.when(sid == 0)
    def _():
        pltpu.sync_copy(shared, all_v)
        acc = jnp.zeros((_LANES,), jnp.float32)
        for i in range(_NS):
            acc = acc + all_v[i, :]
        total = jnp.sum(acc)
        out_v[:] = jnp.zeros((_LANES,), jnp.float32) + total
        pltpu.sync_copy(out_v, out_hbm.at[cid])


_TC_BLK = 128
_TC_STEPS = (_B - _B_SC) // _TC_BLK
_TC_OFF = _B_SC // _TC_BLK


def _tc_body(y_ref, o_ref):
    i = pl.program_id(0)

    @pl.when(i == 0)
    def _():
        o_ref[...] = jnp.zeros((1, 1), jnp.float32)

    y = y_ref[...]
    pos = (y & 1) == 1
    x = jax.lax.bitcast_convert_type(y & -2, jnp.float32)
    e = jnp.exp(jnp.where(pos, -x, x))
    tf = pos.astype(jnp.float32)
    ones = jnp.ones((_L, 1), jnp.float32)
    s_neg = jax.lax.dot(jnp.where(pos, 0.0, e), ones)
    s_pos = jax.lax.dot(jnp.where(pos, e, 0.0), ones)
    npos = jax.lax.dot(tf, ones)
    loss = s_neg * s_pos / (npos * (jnp.float32(_L) - npos) * jnp.float32(_B))
    o_ref[...] += jnp.sum(loss)[None, None]


_tc_half = pl.pallas_call(
    _tc_body,
    grid=(_TC_STEPS,),
    in_specs=[
        pl.BlockSpec((_TC_BLK, _L), lambda i: (i + _TC_OFF, 0)),
    ],
    out_specs=pl.BlockSpec((1, 1), lambda i: (0, 0)),
    out_shape=jax.ShapeDtypeStruct((1, 1), jnp.float32),
)


def kernel(input, target):
    tgt32 = target.astype(jnp.int32)
    packed = (jax.lax.bitcast_convert_type(input, jnp.int32) & -2) | tgt32
    sc_out = _bpmll_sc(packed[:_B_SC])
    tc_out = _tc_half(packed)
    return sc_out[0, 0] + sc_out[1, 0] + tc_out[0, 0]

# --- scband reference (transcript-rebuilt; emitter-appended) ---
"""Pipeline reference for scband-bpmllloss-27281632264919 (READ-ONLY COPY).

The authoritative reference and input builder live on the scoring server;
editing this copy changes nothing except your own understanding.
"""

import jax, jax.numpy as jnp
import numpy as np


def setup_inputs(seed: int = 0) -> dict:
    key = jax.random.key(seed)
    k1, k2 = jax.random.split(key)
    inp = jax.random.normal(k1, (1024, 256), dtype=jnp.float32)
    target = jax.random.randint(k2, (1024, 256), 0, 2, dtype=jnp.int64)
    return {"input": inp, "target": target}


def reference(input, target):
    # BPMLL loss (Zhang & Zhou). The original torch code references `output`
    # and `y_norm`; faithfully, `output` is the model scores (`input`) and
    # y_norm = |Y_i| * |Y_i_bar| per sample (standard BPMLL normalization).
    bsz = target.shape[0]
    y_i = target == 1                      # [B, L] positives
    y_i_bar = target != 1                  # [B, L] negatives
    # truth_matrix[b, j, k] = y_i[b, j] & y_i_bar[b, k]
    truth_matrix = jnp.logical_and(y_i[:, :, None], y_i_bar[:, None, :])
    # exp_matrix[b, j, k] = exp(input[b, k] - input[b, j])
    exp_matrix = jnp.exp(input[:, None, :] - input[:, :, None])
    # masked sum over all (positive, negative) pairs per sample; equivalent to
    # the pad_sequence/split/sum construction in the torch code.
    batch_losses = jnp.sum(jnp.where(truth_matrix, exp_matrix, 0.0), axis=(1, 2))
    y_norm = (y_i.sum(axis=1) * y_i_bar.sum(axis=1)).astype(input.dtype)
    losses = batch_losses / y_norm
    loss = (losses / bsz).sum()
    return loss

if __name__ == "__main__":
    import jax
    _d = setup_inputs()
    print(jax.jit(kernel)(*tuple(_d.values())))

</pallas_src>

<mosaic_0001>
#map = affine_map<(d0, d1) -> (0, 0)>
module attributes {stable_mosaic.version = 14 : i64} {
  func.func @_bpmll_sc(%arg0: i32, %arg1: i32, %arg2: memref<384x256xi32, #tpu.memory_space<hbm>>, %arg3: memref<2x16xf32, #tpu.memory_space<hbm>>, %arg4: memref<12x272xi32, #tpu.memory_space<vmem>>, %arg5: memref<16xf32, #tpu.memory_space<vmem>>, %arg6: memref<16x16xf32, #tpu.memory_space<vmem>>, %arg7: memref<16x16xf32, #tpu.memory_space<vmem_shared>>) attributes {dimension_semantics = [#tpu.dimension_semantics<core_parallel>, #tpu.dimension_semantics<subcore_parallel>], iteration_bounds = array<i64: 2, 16>, scalar_prefetch = 0 : i64, scratch_operands = 4 : i64, tpu.core_type = #tpu.core_type<sc_vector_subcore>, window_params = [{transform_indices = #map}, {transform_indices = #map}]} {
    %mul3A = arith.constant 2 : i32
    %mul3A_0 = arith.muli %arg1, %mul3A : i32
    %add3A = arith.addi %mul3A_0, %arg0 : i32
    %mul3A_1 = arith.constant 12 : i32
    %mul3A_2 = arith.muli %add3A, %mul3A_1 : i32
    "tpu.region"() ({
      %run_scoped3A = tpu.sem_alloc : memref<!tpu.dma_semaphore, #tpu.memory_space<semaphore_mem>>
      %dma_start3A = arith.constant 0 : i32
      %dma_start3A_30 = arith.constant 0 : i32
      %dma_start3A_31 = tpu.memref_slice %arg4[%dma_start3A, %dma_start3A_30] : memref<12x272xi32, #tpu.memory_space<vmem>> -> memref<12x256xi32, #tpu.memory_space<vmem>>
      %dma_start3A_32 = arith.constant 0 : i32
      %dma_start3A_33 = tpu.memref_slice %arg2[%mul3A_2, %dma_start3A_32] : memref<384x256xi32, #tpu.memory_space<hbm>> -> memref<12x256xi32, #tpu.memory_space<hbm>>
      %dma_start3A_34 = arith.constant 0 : i32
      %dma_start3A_35 = arith.constant 0 : i32
      %dma_start3A_36 = tpu.memref_slice %arg4[%dma_start3A_34, %dma_start3A_35] : memref<12x272xi32, #tpu.memory_space<vmem>> -> memref<12x256xi32, #tpu.memory_space<vmem>>
      %dma_start3A_37 = arith.constant 0 : i32
      %dma_start3A_38 = tpu.memref_slice %arg2[%mul3A_2, %dma_start3A_37] : memref<384x256xi32, #tpu.memory_space<hbm>> -> memref<12x256xi32, #tpu.memory_space<hbm>>
      tpu.enqueue_dma source(%dma_start3A_38 : memref<12x256xi32, #tpu.memory_space<hbm>>) target(%dma_start3A_36 : memref<12x256xi32, #tpu.memory_space<vmem>>) target_semaphore(%run_scoped3A : memref<!tpu.dma_semaphore, #tpu.memory_space<semaphore_mem>>)
      %dma_wait3A = arith.constant 0 : i32
      %dma_wait3A_39 = arith.constant 0 : i32
      %dma_wait3A_40 = tpu.memref_slice %arg4[%dma_wait3A, %dma_wait3A_39] : memref<12x272xi32, #tpu.memory_space<vmem>> -> memref<12x256xi32, #tpu.memory_space<vmem>>
      %dma_wait3A_41 = arith.constant 0 : i32
      %dma_wait3A_42 = tpu.memref_slice %arg2[%mul3A_2, %dma_wait3A_41] : memref<384x256xi32, #tpu.memory_space<hbm>> -> memref<12x256xi32, #tpu.memory_space<hbm>>
      %dma_wait3A_43 = arith.constant 0 : i32
      %dma_wait3A_44 = arith.constant 0 : i32
      %dma_wait3A_45 = tpu.memref_slice %arg4[%dma_wait3A_43, %dma_wait3A_44] : memref<12x272xi32, #tpu.memory_space<vmem>> -> memref<12x256xi32, #tpu.memory_space<vmem>>
      %dma_wait3A_46 = arith.constant 0 : i32
      %dma_wait3A_47 = tpu.memref_slice %arg2[%mul3A_2, %dma_wait3A_46] : memref<384x256xi32, #tpu.memory_space<hbm>> -> memref<12x256xi32, #tpu.memory_space<hbm>>
      tpu.wait_dma2 semaphore(%run_scoped3A : memref<!tpu.dma_semaphore, #tpu.memory_space<semaphore_mem>>) src(%dma_wait3A_47 : memref<12x256xi32, #tpu.memory_space<hbm>>) dst(%dma_wait3A_45 : memref<12x256xi32, #tpu.memory_space<vmem>>)
      tpu.yield
    }) : () -> ()
    %iota3A = tpu.iota {dimensions = array<i32: 0>} : vector<16xi32>
    %min3A = arith.constant 11 : i32
    %min3A_3 = vector.broadcast %min3A : i32 to vector<16xi32>
    %min3A_4 = arith.minsi %iota3A, %min3A_3 : vector<16xi32>
    %broadcast_in_dim3A = arith.constant 0.000000e+00 : f32
    %broadcast_in_dim3A_5 = vector.broadcast %broadcast_in_dim3A : f32 to vector<16xf32>
    %broadcast_in_dim3A_6 = arith.constant 0 : i32
    %broadcast_in_dim3A_7 = vector.broadcast %broadcast_in_dim3A_6 : i32 to vector<16xi32>
    %scan3A = arith.constant 0 : i32
    %scan3A_8 = arith.constant 128 : i32
    %scan3A_9 = arith.addi %scan3A, %scan3A_8 : i32
    %scan3A_10 = arith.constant 1 : i32
    %scan3A_11:6 = scf.for %scan3A_30 = %scan3A to %scan3A_9 step %scan3A_10 iter_args(%scan3A_31 = %broadcast_in_dim3A_5, %scan3A_32 = %broadcast_in_dim3A_5, %scan3A_33 = %broadcast_in_dim3A_7, %scan3A_34 = %broadcast_in_dim3A_5, %scan3A_35 = %broadcast_in_dim3A_5, %scan3A_36 = %broadcast_in_dim3A_7) -> (vector<16xf32>, vector<16xf32>, vector<16xi32>, vector<16xf32>, vector<16xf32>, vector<16xi32>)  : i32 {
      %mul3A_37 = arith.constant 2 : i32
      %mul3A_38 = arith.muli %scan3A_30, %mul3A_37 : i32
      %broadcast_in_dim3A_39 = arith.constant 0 : i32
      %broadcast_in_dim3A_40 = vector.broadcast %broadcast_in_dim3A_39 : i32 to vector<16xi32>
      %add3A_41 = vector.broadcast %mul3A_38 : i32 to vector<16xi32>
      %add3A_42 = arith.addi %broadcast_in_dim3A_40, %add3A_41 : vector<16xi32>
      %gather3A = tpu.vector_load_idx %arg4[%min3A_4, %add3A_42] : memref<12x272xi32, #tpu.memory_space<vmem>>[vector<16xi32>, vector<16xi32>], vector<16xi32>,
      %add3A_43 = arith.constant 1 : i32
      %add3A_44 = vector.broadcast %add3A_43 : i32 to vector<16xi32>
      %add3A_45 = arith.addi %add3A_42, %add3A_44 : vector<16xi32>
      %gather3A_46 = tpu.vector_load_idx %arg4[%min3A_4, %add3A_45] : memref<12x272xi32, #tpu.memory_space<vmem>>[vector<16xi32>, vector<16xi32>], vector<16xi32>,
      %and3A = arith.constant 1 : i32
      %and3A_47 = vector.broadcast %and3A : i32 to vector<16xi32>
      %and3A_48 = arith.andi %gather3A, %and3A_47 : vector<16xi32>
      %and3A_49 = arith.constant 1 : i32
      %and3A_50 = vector.broadcast %and3A_49 : i32 to vector<16xi32>
      %and3A_51 = arith.andi %gather3A_46, %and3A_50 : vector<16xi32>
      %and3A_52 = arith.constant -2 : i32
      %and3A_53 = vector.broadcast %and3A_52 : i32 to vector<16xi32>
      %and3A_54 = arith.andi %gather3A, %and3A_53 : vector<16xi32>
      %bitcast3A = vector.bitcast %and3A_54 : vector<16xi32> to vector<16xf32>
      %and3A_55 = arith.constant -2 : i32
      %and3A_56 = vector.broadcast %and3A_55 : i32 to vector<16xi32>
      %and3A_57 = arith.andi %gather3A_46, %and3A_56 : vector<16xi32>
      %bitcast3A_58 = vector.bitcast %and3A_57 : vector<16xi32> to vector<16xf32>
      %eq3A_59 = arith.constant 1 : i32
      %eq3A_60 = vector.broadcast %eq3A_59 : i32 to vector<16xi32>
      %eq3A_61 = arith.cmpi eq, %and3A_48, %eq3A_60 : vector<16xi32>
      %eq3A_62 = arith.constant 1 : i32
      %eq3A_63 = vector.broadcast %eq3A_62 : i32 to vector<16xi32>
      %eq3A_64 = arith.cmpi eq, %and3A_51, %eq3A_63 : vector<16xi32>
      %neg3A = arith.constant 0.000000e+00 : f32
      %neg3A_65 = vector.broadcast %neg3A : f32 to vector<16xf32>
      %neg3A_66 = arith.subf %neg3A_65, %bitcast3A : vector<16xf32>
      %select_n3A_67 = arith.select %eq3A_61, %neg3A_66, %bitcast3A : vector<16xi1>, vector<16xf32>
      %exp3A = math.exp %select_n3A_67 : vector<16xf32>
      %neg3A_68 = arith.constant 0.000000e+00 : f32
      %neg3A_69 = vector.broadcast %neg3A_68 : f32 to vector<16xf32>
      %neg3A_70 = arith.subf %neg3A_69, %bitcast3A_58 : vector<16xf32>
      %select_n3A_71 = arith.select %eq3A_64, %neg3A_70, %bitcast3A_58 : vector<16xi1>, vector<16xf32>
      %exp3A_72 = math.exp %select_n3A_71 : vector<16xf32>
      %jit3A_73 = arith.constant 0.000000e+00 : f32
      %broadcast_in_dim3A_74 = vector.broadcast %jit3A_73 : f32 to vector<16xf32>
      %select_n3A_75 = arith.select %eq3A_61, %broadcast_in_dim3A_74, %exp3A : vector<16xi1>, vector<16xf32>
      %add3A_76 = arith.addf %scan3A_31, %select_n3A_75 : vector<16xf32>
      %jit3A_77 = arith.constant 0.000000e+00 : f32
      %broadcast_in_dim3A_78 = vector.broadcast %jit3A_77 : f32 to vector<16xf32>
      %select_n3A_79 = arith.select %eq3A_64, %broadcast_in_dim3A_78, %exp3A_72 : vector<16xi1>, vector<16xf32>
      %add3A_80 = arith.addf %scan3A_34, %select_n3A_79 : vector<16xf32>
      %jit3A_81 = arith.constant 0.000000e+00 : f32
      %broadcast_in_dim3A_82 = vector.broadcast %jit3A_81 : f32 to vector<16xf32>
      %select_n3A_83 = arith.select %eq3A_61, %exp3A, %broadcast_in_dim3A_82 : vector<16xi1>, vector<16xf32>
      %add3A_84 = arith.addf %scan3A_32, %select_n3A_83 : vector<16xf32>
      %jit3A_85 = arith.constant 0.000000e+00 : f32
      %broadcast_in_dim3A_86 = vector.broadcast %jit3A_85 : f32 to vector<16xf32>
      %select_n3A_87 = arith.select %eq3A_64, %exp3A_72, %broadcast_in_dim3A_86 : vector<16xi1>, vector<16xf32>
      %add3A_88 = arith.addf %scan3A_35, %select_n3A_87 : vector<16xf32>
      %add3A_89 = arith.addi %scan3A_33, %and3A_48 : vector<16xi32>
      %add3A_90 = arith.addi %scan3A_36, %and3A_51 : vector<16xi32>
      scf.yield %add3A_76, %add3A_84, %add3A_89, %add3A_80, %add3A_88, %add3A_90 : vector<16xf32>, vector<16xf32>, vector<16xi32>, vector<16xf32>, vector<16xf32>, vector<16xi32>
    }
    %scan3A_12 = arith.constant 128 : i32
    %add3A_13 = arith.addf %scan3A_11#0, %scan3A_11#3 : vector<16xf32>
    %add3A_14 = arith.addf %scan3A_11#1, %scan3A_11#4 : vector<16xf32>
    %add3A_15 = arith.addi %scan3A_11#2, %scan3A_11#5 : vector<16xi32>
    %convert_element_type3A = arith.sitofp %add3A_15 : vector<16xi32> to vector<16xf32>
    %sub3A = arith.constant 2.560000e+02 : f32
    %sub3A_16 = vector.broadcast %sub3A : f32 to vector<16xf32>
    %sub3A_17 = arith.subf %sub3A_16, %convert_element_type3A : vector<16xf32>
    %lt3A = arith.constant 12 : i32
    %lt3A_18 = vector.broadcast %lt3A : i32 to vector<16xi32>
    %lt3A_19 = arith.cmpi slt, %iota3A, %lt3A_18 : vector<16xi32>
    %mul3A_20 = arith.mulf %add3A_13, %add3A_14 : vector<16xf32>
    %mul3A_21 = arith.mulf %convert_element_type3A, %sub3A_17 : vector<16xf32>
    %mul3A_22 = arith.constant 1.024000e+03 : f32
    %mul3A_23 = vector.broadcast %mul3A_22 : f32 to vector<16xf32>
    %mul3A_24 = arith.mulf %mul3A_21, %mul3A_23 : vector<16xf32>
    %div3A = arith.divf %mul3A_20, %mul3A_24 : vector<16xf32>
    %jit3A = arith.constant 0.000000e+00 : f32
    %broadcast_in_dim3A_25 = vector.broadcast %jit3A : f32 to vector<16xf32>
    %select_n3A = arith.select %lt3A_19, %div3A, %broadcast_in_dim3A_25 : vector<16xi1>, vector<16xf32>
    %swap3A = arith.constant 0 : index
    %swap3A_26 = tpu.vector_load %arg5[%swap3A] {strides = array<i32>} : memref<16xf32, #tpu.memory_space<vmem>>, vector<16xf32>,
    tpu.vector_store %arg5[%swap3A], %select_n3A {strides = array<i32>} : memref<16xf32, #tpu.memory_space<vmem>>, vector<16xf32>,
    "tpu.region"() ({
      %run_scoped3A = tpu.sem_alloc : memref<!tpu.dma_semaphore, #tpu.memory_space<semaphore_mem>>
      %dma_start3A = arith.constant 0 : i32
      %dma_start3A_30 = tpu.memref_slice %arg7[%arg1, %dma_start3A] : memref<16x16xf32, #tpu.memory_space<vmem_shared>> -> memref<1x16xf32, #tpu.memory_space<vmem_shared>>
      %dma_start3A_31 = tpu.memref_squeeze %dma_start3A_30 : memref<1x16xf32, #tpu.memory_space<vmem_shared>> -> memref<16xf32, #tpu.memory_space<vmem_shared>>
      %dma_start3A_32 = arith.constant 0 : i32
      %dma_start3A_33 = tpu.memref_slice %arg7[%arg1, %dma_start3A_32] : memref<16x16xf32, #tpu.memory_space<vmem_shared>> -> memref<1x16xf32, #tpu.memory_space<vmem_shared>>
      %dma_start3A_34 = tpu.memref_squeeze %dma_start3A_33 : memref<1x16xf32, #tpu.memory_space<vmem_shared>> -> memref<16xf32, #tpu.memory_space<vmem_shared>>
      tpu.enqueue_dma source(%arg5 : memref<16xf32, #tpu.memory_space<vmem>>) target(%dma_start3A_34 : memref<16xf32, #tpu.memory_space<vmem_shared>>) target_semaphore(%run_scoped3A : memref<!tpu.dma_semaphore, #tpu.memory_space<semaphore_mem>>)
      %dma_wait3A = arith.constant 0 : i32
      %dma_wait3A_35 = tpu.memref_slice %arg7[%arg1, %dma_wait3A] : memref<16x16xf32, #tpu.memory_space<vmem_shared>> -> memref<1x16xf32, #tpu.memory_space<vmem_shared>>
      %dma_wait3A_36 = tpu.memref_squeeze %dma_wait3A_35 : memref<1x16xf32, #tpu.memory_space<vmem_shared>> -> memref<16xf32, #tpu.memory_space<vmem_shared>>
      %dma_wait3A_37 = arith.constant 0 : i32
      %dma_wait3A_38 = tpu.memref_slice %arg7[%arg1, %dma_wait3A_37] : memref<16x16xf32, #tpu.memory_space<vmem_shared>> -> memref<1x16xf32, #tpu.memory_space<vmem_shared>>
      %dma_wait3A_39 = tpu.memref_squeeze %dma_wait3A_38 : memref<1x16xf32, #tpu.memory_space<vmem_shared>> -> memref<16xf32, #tpu.memory_space<vmem_shared>>
      tpu.wait_dma2 semaphore(%run_scoped3A : memref<!tpu.dma_semaphore, #tpu.memory_space<semaphore_mem>>) src(%arg5 : memref<16xf32, #tpu.memory_space<vmem>>) dst(%dma_wait3A_39 : memref<16xf32, #tpu.memory_space<vmem_shared>>)
      tpu.yield
    }) : () -> ()
    %barrier3A = arith.constant 0 : index
    tpu.barrier barrier_id(%barrier3A)
    %eq3A = arith.constant 0 : i32
    %eq3A_27 = arith.cmpi eq, %arg1, %eq3A : i32
    %convert_element_type3A_28 = arith.extui %eq3A_27 : i1 to i32
    %cond3A = arith.constant 0 : i32
    %cond3A_29 = arith.cmpi ne, %convert_element_type3A_28, %cond3A : i32
    scf.if %cond3A_29 {
      "tpu.region"() ({
        %run_scoped3A = tpu.sem_alloc : memref<!tpu.dma_semaphore, #tpu.memory_space<semaphore_mem>>
        tpu.enqueue_dma source(%arg7 : memref<16x16xf32, #tpu.memory_space<vmem_shared>>) target(%arg6 : memref<16x16xf32, #tpu.memory_space<vmem>>) target_semaphore(%run_scoped3A : memref<!tpu.dma_semaphore, #tpu.memory_space<semaphore_mem>>)
        tpu.wait_dma2 semaphore(%run_scoped3A : memref<!tpu.dma_semaphore, #tpu.memory_space<semaphore_mem>>) src(%arg7 : memref<16x16xf32, #tpu.memory_space<vmem_shared>>) dst(%arg6 : memref<16x16xf32, #tpu.memory_space<vmem>>)
        tpu.yield
      }) : () -> ()
      %broadcast_in_dim3A_30 = arith.constant 0.000000e+00 : f32
      %broadcast_in_dim3A_31 = vector.broadcast %broadcast_in_dim3A_30 : f32 to vector<16xf32>
      %get3A = arith.constant 0 : i32
      %get3A_32 = arith.index_cast %get3A : i32 to index
      %get3A_33 = arith.constant 0 : index
      %get3A_34 = tpu.vector_load %arg6[%get3A_32, %get3A_33] {strides = array<i32>} : memref<16x16xf32, #tpu.memory_space<vmem>>, vector<16xf32>,
      %add3A_35 = arith.addf %broadcast_in_dim3A_31, %get3A_34 : vector<16xf32>
      %get3A_36 = arith.constant 1 : i32
      %get3A_37 = arith.index_cast %get3A_36 : i32 to index
      %get3A_38 = arith.constant 0 : index
      %get3A_39 = tpu.vector_load %arg6[%get3A_37, %get3A_38] {strides = array<i32>} : memref<16x16xf32, #tpu.memory_space<vmem>>, vector<16xf32>,
      %add3A_40 = arith.addf %add3A_35, %get3A_39 : vector<16xf32>
      %get3A_41 = arith.constant 2 : i32
      %get3A_42 = arith.index_cast %get3A_41 : i32 to index
      %get3A_43 = arith.constant 0 : index
      %get3A_44 = tpu.vector_load %arg6[%get3A_42, %get3A_43] {strides = array<i32>} : memref<16x16xf32, #tpu.memory_space<vmem>>, vector<16xf32>,
      %add3A_45 = arith.addf %add3A_40, %get3A_44 : vector<16xf32>
      %get3A_46 = arith.constant 3 : i32
      %get3A_47 = arith.index_cast %get3A_46 : i32 to index
      %get3A_48 = arith.constant 0 : index
      %get3A_49 = tpu.vector_load %arg6[%get3A_47, %get3A_48] {strides = array<i32>} : memref<16x16xf32, #tpu.memory_space<vmem>>, vector<16xf32>,
      %add3A_50 = arith.addf %add3A_45, %get3A_49 : vector<16xf32>
      %get3A_51 = arith.constant 4 : i32
      %get3A_52 = arith.index_cast %get3A_51 : i32 to index
      %get3A_53 = arith.constant 0 : index
      %get3A_54 = tpu.vector_load %arg6[%get3A_52, %get3A_53] {strides = array<i32>} : memref<16x16xf32, #tpu.memory_space<vmem>>, vector<16xf32>,
      %add3A_55 = arith.addf %add3A_50, %get3A_54 : vector<16xf32>
      %get3A_56 = arith.constant 5 : i32
      %get3A_57 = arith.index_cast %get3A_56 : i32 to index
      %get3A_58 = arith.constant 0 : index
      %get3A_59 = tpu.vector_load %arg6[%get3A_57, %get3A_58] {strides = array<i32>} : memref<16x16xf32, #tpu.memory_space<vmem>>, vector<16xf32>,
      %add3A_60 = arith.addf %add3A_55, %get3A_59 : vector<16xf32>
      %get3A_61 = arith.constant 6 : i32
      %get3A_62 = arith.index_cast %get3A_61 : i32 to index
      %get3A_63 = arith.constant 0 : index
      %get3A_64 = tpu.vector_load %arg6[%get3A_62, %get3A_63] {strides = array<i32>} : memref<16x16xf32, #tpu.memory_space<vmem>>, vector<16xf32>,
      %add3A_65 = arith.addf %add3A_60, %get3A_64 : vector<16xf32>
      %get3A_66 = arith.constant 7 : i32
      %get3A_67 = arith.index_cast %get3A_66 : i32 to index
      %get3A_68 = arith.constant 0 : index
      %get3A_69 = tpu.vector_load %arg6[%get3A_67, %get3A_68] {strides = array<i32>} : memref<16x16xf32, #tpu.memory_space<vmem>>, vector<16xf32>,
      %add3A_70 = arith.addf %add3A_65, %get3A_69 : vector<16xf32>
      %get3A_71 = arith.constant 8 : i32
      %get3A_72 = arith.index_cast %get3A_71 : i32 to index
      %get3A_73 = arith.constant 0 : index
      %get3A_74 = tpu.vector_load %arg6[%get3A_72, %get3A_73] {strides = array<i32>} : memref<16x16xf32, #tpu.memory_space<vmem>>, vector<16xf32>,
      %add3A_75 = arith.addf %add3A_70, %get3A_74 : vector<16xf32>
      %get3A_76 = arith.constant 9 : i32
      %get3A_77 = arith.index_cast %get3A_76 : i32 to index
      %get3A_78 = arith.constant 0 : index
      %get3A_79 = tpu.vector_load %arg6[%get3A_77, %get3A_78] {strides = array<i32>} : memref<16x16xf32, #tpu.memory_space<vmem>>, vector<16xf32>,
      %add3A_80 = arith.addf %add3A_75, %get3A_79 : vector<16xf32>
      %get3A_81 = arith.constant 10 : i32
      %get3A_82 = arith.index_cast %get3A_81 : i32 to index
      %get3A_83 = arith.constant 0 : index
      %get3A_84 = tpu.vector_load %arg6[%get3A_82, %get3A_83] {strides = array<i32>} : memref<16x16xf32, #tpu.memory_space<vmem>>, vector<16xf32>,
      %add3A_85 = arith.addf %add3A_80, %get3A_84 : vector<16xf32>
      %get3A_86 = arith.constant 11 : i32
      %get3A_87 = arith.index_cast %get3A_86 : i32 to index
      %get3A_88 = arith.constant 0 : index
      %get3A_89 = tpu.vector_load %arg6[%get3A_87, %get3A_88] {strides = array<i32>} : memref<16x16xf32, #tpu.memory_space<vmem>>, vector<16xf32>,
      %add3A_90 = arith.addf %add3A_85, %get3A_89 : vector<16xf32>
      %get3A_91 = arith.constant 12 : i32
      %get3A_92 = arith.index_cast %get3A_91 : i32 to index
      %get3A_93 = arith.constant 0 : index
      %get3A_94 = tpu.vector_load %arg6[%get3A_92, %get3A_93] {strides = array<i32>} : memref<16x16xf32, #tpu.memory_space<vmem>>, vector<16xf32>,
      %add3A_95 = arith.addf %add3A_90, %get3A_94 : vector<16xf32>
      %get3A_96 = arith.constant 13 : i32
      %get3A_97 = arith.index_cast %get3A_96 : i32 to index
      %get3A_98 = arith.constant 0 : index
      %get3A_99 = tpu.vector_load %arg6[%get3A_97, %get3A_98] {strides = array<i32>} : memref<16x16xf32, #tpu.memory_space<vmem>>, vector<16xf32>,
      %add3A_100 = arith.addf %add3A_95, %get3A_99 : vector<16xf32>
      %get3A_101 = arith.constant 14 : i32
      %get3A_102 = arith.index_cast %get3A_101 : i32 to index
      %get3A_103 = arith.constant 0 : index
      %get3A_104 = tpu.vector_load %arg6[%get3A_102, %get3A_103] {strides = array<i32>} : memref<16x16xf32, #tpu.memory_space<vmem>>, vector<16xf32>,
      %add3A_105 = arith.addf %add3A_100, %get3A_104 : vector<16xf32>
      %get3A_106 = arith.constant 15 : i32
      %get3A_107 = arith.index_cast %get3A_106 : i32 to index
      %get3A_108 = arith.constant 0 : index
      %get3A_109 = tpu.vector_load %arg6[%get3A_107, %get3A_108] {strides = array<i32>} : memref<16x16xf32, #tpu.memory_space<vmem>>, vector<16xf32>,
      %add3A_110 = arith.addf %add3A_105, %get3A_109 : vector<16xf32>
      %reduce_sum3A = arith.constant true
      %reduce_sum3A_111 = vector.broadcast %reduce_sum3A : i1 to vector<16xi1>
      %reduce_sum3A_112 = tpu.scan <sum>, %add3A_110 masked %reduce_sum3A_111 : vector<16xf32>, vector<16xi1> -> vector<16xf32>
      %reduce_sum3A_113 = vector.extract %reduce_sum3A_112[15] : f32 from vector<16xf32>
      %broadcast_in_dim3A_114 = arith.constant 0.000000e+00 : f32
      %broadcast_in_dim3A_115 = vector.broadcast %broadcast_in_dim3A_114 : f32 to vector<16xf32>
      %add3A_116 = vector.broadcast %reduce_sum3A_113 : f32 to vector<16xf32>
      %add3A_117 = arith.addf %broadcast_in_dim3A_115, %add3A_116 : vector<16xf32>
      %swap3A_118 = arith.constant 0 : index
      %swap3A_119 = tpu.vector_load %arg5[%swap3A_118] {strides = array<i32>} : memref<16xf32, #tpu.memory_space<vmem>>, vector<16xf32>,
      tpu.vector_store %arg5[%swap3A_118], %add3A_117 {strides = array<i32>} : memref<16xf32, #tpu.memory_space<vmem>>, vector<16xf32>,
      "tpu.region"() ({
        %run_scoped3A = tpu.sem_alloc : memref<!tpu.dma_semaphore, #tpu.memory_space<semaphore_mem>>
        %dma_start3A = arith.constant 0 : i32
        %dma_start3A_120 = tpu.memref_slice %arg3[%arg0, %dma_start3A] : memref<2x16xf32, #tpu.memory_space<hbm>> -> memref<1x16xf32, #tpu.memory_space<hbm>>
        %dma_start3A_121 = tpu.memref_squeeze %dma_start3A_120 : memref<1x16xf32, #tpu.memory_space<hbm>> -> memref<16xf32, #tpu.memory_space<hbm>>
        %dma_start3A_122 = arith.constant 0 : i32
        %dma_start3A_123 = tpu.memref_slice %arg3[%arg0, %dma_start3A_122] : memref<2x16xf32, #tpu.memory_space<hbm>> -> memref<1x16xf32, #tpu.memory_space<hbm>>
        %dma_start3A_124 = tpu.memref_squeeze %dma_start3A_123 : memref<1x16xf32, #tpu.memory_space<hbm>> -> memref<16xf32, #tpu.memory_space<hbm>>
        tpu.enqueue_dma source(%arg5 : memref<16xf32, #tpu.memory_space<vmem>>) target(%dma_start3A_124 : memref<16xf32, #tpu.memory_space<hbm>>) target_semaphore(%run_scoped3A : memref<!tpu.dma_semaphore, #tpu.memory_space<semaphore_mem>>)
        %dma_wait3A = arith.constant 0 : i32
        %dma_wait3A_125 = tpu.memref_slice %arg3[%arg0, %dma_wait3A] : memref<2x16xf32, #tpu.memory_space<hbm>> -> memref<1x16xf32, #tpu.memory_space<hbm>>
        %dma_wait3A_126 = tpu.memref_squeeze %dma_wait3A_125 : memref<1x16xf32, #tpu.memory_space<hbm>> -> memref<16xf32, #tpu.memory_space<hbm>>
        %dma_wait3A_127 = arith.constant 0 : i32
        %dma_wait3A_128 = tpu.memref_slice %arg3[%arg0, %dma_wait3A_127] : memref<2x16xf32, #tpu.memory_space<hbm>> -> memref<1x16xf32, #tpu.memory_space<hbm>>
        %dma_wait3A_129 = tpu.memref_squeeze %dma_wait3A_128 : memref<1x16xf32, #tpu.memory_space<hbm>> -> memref<16xf32, #tpu.memory_space<hbm>>
        tpu.wait_dma2 semaphore(%run_scoped3A : memref<!tpu.dma_semaphore, #tpu.memory_space<semaphore_mem>>) src(%arg5 : memref<16xf32, #tpu.memory_space<vmem>>) dst(%dma_wait3A_129 : memref<16xf32, #tpu.memory_space<hbm>>)
        tpu.yield
      }) : () -> ()
    } else {
    }
    return
  }
}

module attributes {stable_mosaic.version = 14 : i64} {
  func.func @_tc_body(%arg0: i32, %arg1: memref<128x256xi32, #tpu.memory_space<vmem>>, %arg2: memref<1x1xf32, #tpu.memory_space<vmem>>) attributes {dimension_semantics = [#tpu.dimension_semantics<arbitrary>], iteration_bounds = array<i64: 5>, scalar_prefetch = 0 : i64, scratch_operands = 0 : i64, tpu.core_type = #tpu.core_type<tc>, window_params = [{transform_indices = @transform_0, window_bounds = array<i64: 128, 256>}, {pipeline_mode = #tpu.pipeline_mode<synchronous>, transform_indices = @transform_1, window_bounds = array<i64: 1, 1>}]} {
    %eq3A = arith.constant 0 : i32
    %eq3A_0 = arith.cmpi eq, %arg0, %eq3A : i32
    %convert_element_type3A = arith.extui %eq3A_0 : i1 to i32
    %cond3A = arith.constant 0 : i32
    %cond3A_1 = arith.cmpi ne, %convert_element_type3A, %cond3A : i32
    scf.if %cond3A_1 {
      %broadcast_in_dim3A_43 = arith.constant 0.000000e+00 : f32
      %broadcast_in_dim3A_44 = vector.broadcast %broadcast_in_dim3A_43 : f32 to vector<1x1xf32>
      %swap3A_45 = arith.constant 0 : index
      %swap3A_46 = arith.constant 0 : index
      %swap3A_47 = vector.load %arg2[%swap3A_45, %swap3A_46] : memref<1x1xf32, #tpu.memory_space<vmem>>, vector<1x1xf32>
      tpu.vector_store %arg2[%swap3A_45, %swap3A_46], %broadcast_in_dim3A_44 {strides = array<i32>} : memref<1x1xf32, #tpu.memory_space<vmem>>, vector<1x1xf32>,
    } else {
    }
    %get3A = arith.constant 0 : index
    %get3A_2 = arith.constant 0 : index
    %get3A_3 = vector.load %arg1[%get3A, %get3A_2] : memref<128x256xi32, #tpu.memory_space<vmem>>, vector<128x256xi32>
    %and3A = arith.constant 1 : i32
    %and3A_4 = vector.broadcast %and3A : i32 to vector<128x256xi32>
    %and3A_5 = arith.andi %get3A_3, %and3A_4 : vector<128x256xi32>
    %eq3A_6 = arith.constant 1 : i32
    %eq3A_7 = vector.broadcast %eq3A_6 : i32 to vector<128x256xi32>
    %eq3A_8 = arith.cmpi eq, %and3A_5, %eq3A_7 : vector<128x256xi32>
    %and3A_9 = arith.constant -2 : i32
    %and3A_10 = vector.broadcast %and3A_9 : i32 to vector<128x256xi32>
    %and3A_11 = arith.andi %get3A_3, %and3A_10 : vector<128x256xi32>
    %bitcast_convert_type3A = tpu.bitcast %and3A_11 : vector<128x256xi32> -> vector<128x256xf32>
    %neg3A = arith.constant 0.000000e+00 : f32
    %neg3A_12 = vector.broadcast %neg3A : f32 to vector<128x256xf32>
    %neg3A_13 = arith.subf %neg3A_12, %bitcast_convert_type3A : vector<128x256xf32>
    %select_n3A = arith.select %eq3A_8, %neg3A_13, %bitcast_convert_type3A : vector<128x256xi1>, vector<128x256xf32>
    %exp3A = math.exp %select_n3A : vector<128x256xf32>
    %convert_element_type3A_14 = arith.extui %eq3A_8 : vector<128x256xi1> to vector<128x256xi32>
    %convert_element_type3A_15 = arith.sitofp %convert_element_type3A_14 : vector<128x256xi32> to vector<128x256xf32>
    %broadcast_in_dim3A = arith.constant 1.000000e+00 : f32
    %broadcast_in_dim3A_16 = vector.broadcast %broadcast_in_dim3A : f32 to vector<256x1xf32>
    %jit3A = arith.constant 0.000000e+00 : f32
    %broadcast_in_dim3A_17 = vector.broadcast %jit3A : f32 to vector<128x256xf32>
    %select_n3A_18 = arith.select %eq3A_8, %broadcast_in_dim3A_17, %exp3A : vector<128x256xi1>, vector<128x256xf32>
    %dot_general3A = arith.constant dense<0.000000e+00> : vector<128x1xf32>
    %dot_general3A_19 = tpu.matmul %select_n3A_18, %broadcast_in_dim3A_16, %dot_general3A {dimension_numbers = #tpu.dot_dimension_numbers<[1], [0], [0], [1], [0, 0, 1, 1], [], []>, transpose_lhs_hint = false} : vector<128x256xf32>, vector<256x1xf32>, vector<128x1xf32> -> vector<128x1xf32>
    %jit3A_20 = arith.constant 0.000000e+00 : f32
    %broadcast_in_dim3A_21 = vector.broadcast %jit3A_20 : f32 to vector<128x256xf32>
    %select_n3A_22 = arith.select %eq3A_8, %exp3A, %broadcast_in_dim3A_21 : vector<128x256xi1>, vector<128x256xf32>
    %dot_general3A_23 = arith.constant dense<0.000000e+00> : vector<128x1xf32>
    %dot_general3A_24 = tpu.matmul %select_n3A_22, %broadcast_in_dim3A_16, %dot_general3A_23 {dimension_numbers = #tpu.dot_dimension_numbers<[1], [0], [0], [1], [0, 0, 1, 1], [], []>, transpose_lhs_hint = false} : vector<128x256xf32>, vector<256x1xf32>, vector<128x1xf32> -> vector<128x1xf32>
    %dot_general3A_25 = arith.constant dense<0.000000e+00> : vector<128x1xf32>
    %dot_general3A_26 = tpu.matmul %convert_element_type3A_15, %broadcast_in_dim3A_16, %dot_general3A_25 {dimension_numbers = #tpu.dot_dimension_numbers<[1], [0], [0], [1], [0, 0, 1, 1], [], []>, transpose_lhs_hint = false} : vector<128x256xf32>, vector<256x1xf32>, vector<128x1xf32> -> vector<128x1xf32>
    %mul3A = arith.mulf %dot_general3A_19, %dot_general3A_24 : vector<128x1xf32>
    %sub3A = arith.constant 2.560000e+02 : f32
    %sub3A_27 = vector.broadcast %sub3A : f32 to vector<128x1xf32>
    %sub3A_28 = arith.subf %sub3A_27, %dot_general3A_26 : vector<128x1xf32>
    %mul3A_29 = arith.mulf %dot_general3A_26, %sub3A_28 : vector<128x1xf32>
    %mul3A_30 = arith.constant 1.024000e+03 : f32
    %mul3A_31 = vector.broadcast %mul3A_30 : f32 to vector<128x1xf32>
    %mul3A_32 = arith.mulf %mul3A_29, %mul3A_31 : vector<128x1xf32>
    %div3A = arith.divf %mul3A, %mul3A_32 : vector<128x1xf32>
    %get3A_33 = arith.constant 0 : index
    %get3A_34 = arith.constant 0 : index
    %get3A_35 = vector.load %arg2[%get3A_33, %get3A_34] : memref<1x1xf32, #tpu.memory_space<vmem>>, vector<1x1xf32>
    %reduce_sum3A = vector.shape_cast %div3A : vector<128x1xf32> to vector<1x128x1xf32>
    %reduce_sum3A_36 = arith.constant dense<0.000000e+00> : vector<1xf32>
    %reduce_sum3A_37 = vector.multi_reduction <add>, %reduce_sum3A, %reduce_sum3A_36 [1, 2] : vector<1x128x1xf32> to vector<1xf32>
    %reduce_sum3A_38 = vector.shape_cast %reduce_sum3A_37 : vector<1xf32> to vector<1x1x1xf32>
    %reduce_sum3A_39 = vector.extract %reduce_sum3A_38[0, 0, 0] : f32 from vector<1x1x1xf32>
    %broadcast_in_dim3A_40 = vector.broadcast %reduce_sum3A_39 : f32 to vector<1x1xf32>
    %add3A = arith.addf %get3A_35, %broadcast_in_dim3A_40 : vector<1x1xf32>
    %swap3A = arith.constant 0 : index
    %swap3A_41 = arith.constant 0 : index
    %swap3A_42 = vector.load %arg2[%swap3A, %swap3A_41] : memref<1x1xf32, #tpu.memory_space<vmem>>, vector<1x1xf32>
    tpu.vector_store %arg2[%swap3A, %swap3A_41], %add3A {strides = array<i32>} : memref<1x1xf32, #tpu.memory_space<vmem>>, vector<1x1xf32>,
    return
  }
  func.func @transform_0(%arg0: i32) -> (i32, i32) {
    %add3A = arith.constant 3 : i32
    %add3A_0 = arith.addi %arg0, %add3A : i32
    %c0_i32 = arith.constant 0 : i32
    %c0_i32_1 = arith.constant 0 : i32
    return %add3A_0, %c0_i32 : i32, i32
  }
  func.func @transform_1(%arg0: i32) -> (i32, i32) {
    %c0_i32 = arith.constant 0 : i32
    %c0_i32_0 = arith.constant 0 : i32
    %c0_i32_1 = arith.constant 0 : i32
    return %c0_i32, %c0_i32_0 : i32, i32
  }
}

</mosaic_0001>

<sc_bundles>
// kernel: kernel.4.cloned.1.call-start
scs
__scs_entry_jumppad:
0x0: {  	(pc) =	sbr.rel $0x88, $3  }
0x1: {  	(tag) =	ssettag $0x0;
	lr =	simm.s32 $0x1  }
0x2: {  	[smem:$0x3F9F] =	sst lr;
	_ =	strace $0xD0000000  }
0x3: {  	_ = 	snop  }
0x4: {  	_ = 	snop  }
0x5: {  	_ = 	snop  }
0x6: {  	_ = 	snop  }
0x7: {  	_ = 	snop  }
__scs_overlays_trampoline_lowered:
0x8: {  	[smem:$0x3FAE] =	sst s0  }
0x9: {  	[smem:$0x3FAF] =	sst s1  }
0xa: {  	[smem:$0x3FB0] =	sst s2  }
0xb: {  	[smem:$0x3FB1] =	sst s3  }
0xc: {  	[smem:$0x3FB2] =	sst s4  }
0xd: {  	[smem:$0x3FB3] =	sst s5  }
0xe: {  	[smem:$0x3FB4] =	sst s6  }
0xf: {  	[smem:$0x3FB5] =	sst s7  }
0x10: {  	[smem:$0x3FB6] =	sst s8  }
0x11: {  	[smem:$0x3FB7] =	sst s9;
	s0 =	simm.s32 @!p0 $0x0  }
0x12: {  	s1 =	sld [smem:$0x3F9D];
	s0 =	simm.s32 @p0 $0x1  }
0x13: {  	[smem:$0x3FB8] =	sst s0;
	s0 =	simm.s32 @!p1 $0x0  }
0x14: {  	s2 =	sld [smem:$0x3F9C];
	s0 =	simm.s32 @p1 $0x1  }
0x15: {  	[smem:$0x3FB9] =	sst s0;
	s0 =	simm.s32 @!p2 $0x0  }
0x16: {  	s3 =	sld [smem:$0x3FDB];
	s0 =	simm.s32 @p2 $0x1  }
0x17: {  	s4 =	simm.s32 $0x1BF5;
	[smem:$0x3FBB] =	sst s0  }
0x18: {  	s0 =	sld [smem:$0x3F9E];
	_ =	swait.ge [sflag:s4], $0x0  }
0x19: {  	s7 =	sld [smem:$0x3F9F]  }
0x1a: {  	s8 =	sadd.s32 $0xFFFFE003, lr  }
0x1b: {  	s9 =	sadd.s32 $0xFFFFFEF7, lr;
	s5 =	simm.s32 $0xFFFFFFFF;
	p2 =	slt.u32 s8, $0xFFFFF086  }
0x1c: {  	p1 =	slt.u32 s9, $0xF7A;
	s5 =	simm.s32 @!p2 $0x0  }
0x1d: {  	s5 =	simm.s32 @p1 $0x1;
	p0 =	seq.s32 s7, s2  }
0x1e: {  	s7 =	smul.u32 @!p0 $0xF7A, s2;
	p2 =	seq.s32 @!p0 s5, $0x0  }
0x1f: {  	s9 =	smul.u32 $0xF7A, s1;
	s8 =	simm.s32 @!p0 $0x1BF5;
	p2 =	por !p2, p0  }
0x20: {  	[sflag:s8] =	ssyncset.s32 @!p0 $0xFFFFF086;
	s6 =	sadd.s32 @!p0 s3, s7;
	s7 =	simm.s32 @!p0 $0x108  }
0x21: {  	s3 =	sadd.s32 s3, s9;
	s6 =	sadd.s32 @!p0 $0x88, s6;
	s7 =	simm.s32 @p2 $0x1082  }
0x22: {  	[simem:s7], [sflag:s8] =	dma.local @!p0 [hbm:s6], $0xF7A  }
0x23: {  	s9 =	sor.u32 $0xD0000000, s2;
	s6 =	simm.s32 $0x108;
	_ =	swait.ge @!p0 [sflag:s8], $0x0  }
0x24: {  	s3 =	sadd.s32 $0x88, s3;
	s6 =	simm.s32 @!p1 $0x1082;
	[sflag:s4] =	ssyncset.s32 $0xFFFFF086  }
0x25: {  	[simem:s6], [sflag:s4] =	dma.local [hbm:s3], $0xF7A  }
0x26: {  	[smem:$0x3F9F] =	sst s1;
	(tag) =	ssettag s2;
	_ =	strace s9  }
0x27: {  	s1 =	sld [smem:$0x3FAF]  }
0x28: {  	s2 =	sld [smem:$0x3FB0]  }
0x29: {  	s4 =	sld [smem:$0x3FB2]  }
0x2a: {  	p0 =	seq.s32 s5, $0x0;
	s5 =	sld [smem:$0x3FB3]  }
0x2b: {  	s6 =	sld [smem:$0x3FB4]  }
0x2c: {  	s7 =	sld [smem:$0x3FB5]  }
0x2d: {  	s3 =	simm.s32 $0x108;
	s8 =	sld [smem:$0x3FB6]  }
0x2e: {  	s3 =	simm.s32 @!p0 $0x1082;
	s9 =	sld [smem:$0x3FB7]  }
0x2f: {  	lr =	sadd.s32 s0, s3;
	s0 =	sld [smem:$0x3FAE]  }
0x30: {  	s3 =	sld [smem:$0x3FB1]  }
0x31: {  	[smem:$0x3FBA] =	sst s10  }
0x32: {  	s10 =	sld [smem:$0x3FB8];
	_ =	sdelay $0x3  }
0x33: {  	p0 =	seq.s32 s10, $0x1;
	s10 =	sld [smem:$0x3FBA];
	_ =	sdelay $0x3  }
0x34: {  	[smem:$0x3FBA] =	sst s10  }
0x35: {  	s10 =	sld [smem:$0x3FB9];
	_ =	sdelay $0x3  }
0x36: {  	p1 =	seq.s32 s10, $0x1;
	s10 =	sld [smem:$0x3FBA];
	_ =	sdelay $0x3  }
0x37: {  	[smem:$0x3FBA] =	sst s10  }
0x38: {  	s10 =	sld [smem:$0x3FBB]  }
0x39: {  	_ = 	snop;
	(pc) =	sbr.ind lr, $3  }
0x3a: {  	_ = 	snop  }
0x3b: {  	_ = 	snop  }
0x3c: {  	p2 =	seq.s32 s10, $0x1;
	s10 =	sld [smem:$0x3FBA]  }
0x3d: {  	_ =	shalt  }
0x3e: {  	_ =	shalt  }
0x3f: {  	_ =	shalt  }
0x40: {  	_ =	shalt  }
0x41: {  	_ =	shalt  }
0x42: {  	_ =	shalt  }
0x43: {  	_ =	shalt  }
0x44: {  	_ =	shalt  }
0x45: {  	_ =	shalt  }
0x46: {  	_ =	shalt  }
0x47: {  	_ =	shalt  }
0x48: {  	_ =	shalt  }
0x49: {  	_ =	shalt  }
0x4a: {  	_ =	shalt  }
0x4b: {  	_ =	shalt  }
0x4c: {  	_ =	shalt  }
0x4d: {  	_ =	shalt  }
0x4e: {  	_ =	shalt  }
0x4f: {  	_ =	shalt  }
0x50: {  	_ =	shalt  }
0x51: {  	_ =	shalt  }
0x52: {  	_ =	shalt  }
0x53: {  	_ =	shalt  }
0x54: {  	_ =	shalt  }
0x55: {  	_ =	shalt  }
0x56: {  	_ =	shalt  }
0x57: {  	_ =	shalt  }
0x58: {  	_ =	shalt  }
0x59: {  	_ =	shalt  }
0x5a: {  	_ =	shalt  }
0x5b: {  	_ =	shalt  }
0x5c: {  	_ =	shalt  }
0x5d: {  	_ =	shalt  }
0x5e: {  	_ =	shalt  }
0x5f: {  	_ =	shalt  }
0x60: {  	_ =	shalt  }
0x61: {  	_ =	shalt  }
0x62: {  	_ =	shalt  }
0x63: {  	_ =	shalt  }
0x64: {  	_ =	shalt  }
0x65: {  	_ =	shalt  }
0x66: {  	_ =	shalt  }
0x67: {  	_ =	shalt  }
0x68: {  	_ =	shalt  }
0x69: {  	_ =	shalt  }
0x6a: {  	_ =	shalt  }
0x6b: {  	_ =	shalt  }
0x6c: {  	_ =	shalt  }
0x6d: {  	_ =	shalt  }
0x6e: {  	_ =	shalt  }
0x6f: {  	_ =	shalt  }
0x70: {  	_ =	shalt  }
0x71: {  	_ =	shalt  }
0x72: {  	_ =	shalt  }
0x73: {  	_ =	shalt  }
0x74: {  	_ =	shalt  }
0x75: {  	_ =	shalt  }
0x76: {  	_ =	shalt  }
0x77: {  	_ =	shalt  }
0x78: {  	_ =	shalt  }
0x79: {  	_ =	shalt  }
0x7a: {  	_ =	shalt  }
0x7b: {  	_ =	shalt  }
0x7c: {  	_ =	shalt  }
0x7d: {  	_ =	shalt  }
0x7e: {  	_ =	shalt  }
0x7f: {  	_ =	shalt  }
0x80: {  	_ =	shalt  }
0x81: {  	_ =	shalt  }
0x82: {  	_ =	shalt  }
0x83: {  	_ =	shalt  }
0x84: {  	_ =	shalt  }
0x85: {  	_ =	shalt  }
0x86: {  	_ =	shalt  }
0x87: {  	_ =	shalt  }
.Lfunc_end0:
.L_simem_size_0:
called_computation_lowered:
.L_overlay_start_0:
0x88: {  	s2 =	sld [smem:$0x3FD9]  }
0x89: {  	s3 =	sld [smem:$0x3FFE];
	_ =	sdelay $0x1  }
0x8a: {  	s1 =	srdreg.scid  }
0x8b: {  	s0 =	sand.u32 $0x1, s1  }
0x8c: {  	s17 =	sshll.u32 s0, $0xA;
	s2 =	sadd.s32 s3, s2  }
0x8d: {  	s2 =	sadd.s32 s2, s17  }
0x8e: {  	[smem:$0x3FC6] =	sst s2  }
0x8f: {  	_ = 	snop  }
0x90: {  	s2 =	sld [smem:$0x3FD0];
	(tm) =	ssettm $0x1  }
0x91: {  	s18 =	sld [smem:$0x3FFB];
	_ =	sdelay $0x3  }
0x92: {  	_ =	strace s18  }
0x93: {  	s3 =	sld [smem:$0x3FFC];
	_ =	sdelay $0x3  }
0x94: {  	_ =	strace s3  }
0x95: {  	s3 =	sld [smem:$0x3FFD];
	_ =	sdelay $0x3  }
0x96: {  	_ =	strace s3  }
0x97: {  	_ =	strace $0x8FFFFFFF  }
0x98: {  	s19 =	sld [smem:$0x3FDB];
	_ =	sdelay $0x1  }
0x99: {  	s4 =	simm.s32 $_scs_section_size  }
0x9a: {  	s5 =	simm.s32 $_size__tile_overlayer_lowered;
	s6 =	simm.s32 $_tile_overlayer_lowered  }
0x9b: {  	s22 =	simm.s32 $0x1BFF;
	s21 =	sshll.u32 s6, $0x1;
	s3 =	sadd.s32 s4, s19  }
0x9c: {  	s7 =	simm.s32 $0x0;
	s20 =	sshll.u32 s5, $0x1;
	s5 =	sadd.s32 s21, s3  }
0x9d: {  	[timem:s7], [sflag:s22] =	dma.local [hbm:s5], s20  }
0x9e: {  	_ =	swait.ge [sflag:s22], s20  }
0x9f: {  	s4 =	ssub.s32 $0x0, s20;
	[sflag:s22] =	ssyncset.done $0x0  }
0xa0: {  	[sflag:s22] =	ssyncadd.s32 s4;
	_ =	sdelay $0x1  }
0xa1: {  	s23 =	simm.s32 $0x1B8B  }
0xa2: {  	_ =	swait.ge [sflag:s23], $0x1  }
0xa3: {  	[sflag:s23] =	ssyncset.done $0x0  }
0xa4: {  	s25 =	simm.s32 $0x1B8E;
	s24 =	sld [smem:$0x3FFE];
	[sflag:s23] =	ssyncadd.s32 $0xFFFFFFFF  }
0xa5: {  	s26 =	simm.s32 $execute0_lowered;
	[smem:$0x3FD2] =	sst s25  }
0xa6: {  	s5 =	sshll.u32 s26, $0x1;
	_ =	strace $0x80000046;
	[dreg:$0x1] =	wrdreg $0xFFFFFFFF  }
0xa7: {  	s28 =	simm.s32 $_size_execute0_lowered;
	s3 =	sadd.s32 s3, s5;
	[dreg:$0x0] =	wrdreg $0x0  }
0xa8: {  	s5 =	sshll.u32 s28, $0x1;
	[dreg:$0x2] =	wrdreg s3  }
0xa9: {  	[dreg:$0x3] =	wrdreg s5  }
0xaa: {  	[dreg:$0x4] =	wrdreg $0xC0  }
0xab: {  	_ =	task [dreg:s7], $0x5FFFF  }
0xac: {  	[dreg:$0x1] =	wrdreg $0xFFFFFFFF  }
0xad: {  	[dreg:$0x0] =	wrdreg $0x60  }
0xae: {  	[dreg:$0x2] =	wrdreg s24  }
0xaf: {  	[dreg:$0x3] =	wrdreg s2  }
0xb0: {  	[dreg:$0x4] =	wrdreg $0xDD00  }
0xb1: {  	[dreg:$0x5] =	wrdreg $0x9  }
0xb2: {  	_ =	task.clear_ibuf [dreg:s7], $0x6FFFF;
	_ =	strace $0x90000046  }
0xb3: {  	s29 =	simm.s32 $0x9;
	_ =	strace $0x80000048  }
0xb4: {  	_ =	swait.ge [sflag:s29], $0x1  }
0xb5: {  	[sflag:s29] =	ssyncadd.s32 $0xFFFFFFFF  }
0xb6: {  	_ =	strace $0x90000048  }
0xb7: {  	_ =	sfence  }
0xb8: {  	s30 =	sld [smem:$0x0];
	_ =	sdelay $0x2  }
0xb9: {  	s31 =	sshll.u32 s1, $0xD;
	s1 =	sshrl.u32 s1, $0x2  }
0xba: {  	s3 =	sand.u32 $0x4000, s31;
	s1 =	sadd.s32 s1, s30  }
0xbb: {  	s0 =	sor.u32 s3, s0;
	s1 =	sshll.u32 s1, $0x11  }
0xbc: {  	s0 =	sor.u32 s1, s0  }
0xbd: {  	s0 =	sadd.s32 $0x8F2B, s0  }
0xbe: {  	[sflag:s0] =	ssyncadd.remote.s32 $0x1  }
0xbf: {  	_ =	sfence.sel $0xFFFF  }
0xc0: {  	[dreg:$0x0] =	wrdreg $0xFFFFFFFF;
	(pc) =	sbr.abs _section_cstart, $3  }
0xc1: {  	[dreg:$0x1] =	wrdreg $0xFFFFFFFF  }
0xc2: {  	_ =	task.clear_ibuf [dreg:s7], $0x2FFFF;
	_ =	strace $0x9FFFFFFF  }
0xc3: {  	(tm) =	ssettm $0x7FFFFFFF  }
tec
execute0_lowered:
.L_overlay_start_1:
0x0: {  	(tag) =	ssettag $0x1  }
0x1: {  	s0 =	rddreg [dreg:$0x0];
	s1 =	srdreg.scid  }
0x2: {  	s25 =	stileid.u32;
	s5 =	rddreg [dreg:$0x1]  }
0x3: {  	s7 =	rddreg [dreg:$0x2];
	s20 =	simm.s32 $0x330;
	s21 =	simm.s32 $0x440  }
0x4: {  	s22 =	simm.s32 $0x550;
	s23 =	simm.s32 $0x660;
	s28 =	simm.s32 $0xAA0  }
0x5: {  	v0 =	vimm.s32 $0xBB0;
	vm0 =	vcmask $0x300;
	s29 =	simm.s32 $0xBB0;
	s30 =	simm.s32 $0x1;
	s31 =	simm.s32 $0xCC0  }
0x6: {  	s1 =	sand.u32 $0x1, s1;
	s2 =	sshll.u32 s25, $0x1;
	s26 =	sshll.u32 s25, $0x4;
	v0 =	vsel vm0, $0x0, v0;
	vm0 =	vcmask $0x704  }
0x7: {  	p0 =	sne.s32 s25, $0x0;
	s25 =	simm.s32 $0x880;
	s3 =	sor.u32 s1, s2;
	v0 =	vsel vm0, $0x110, v0;
	vm0 =	vcmask $0xB08  }
0x8: {  	s2 =	simm.s32 $0x0;
	s4 =	ssub.s32 $0x2, s1;
	s1 =	sshll.u32 s1, $0x1;
	v0 =	vsel vm0, $0x220, v0;
	vm0 =	vcmask $0xF0C  }
0x9: {  	s3 =	smul.u32 $0x180, s3;
	[smem:$0x7FF] =	sst s2;
	s24 =	sshrl.u32 s4, $0x1;
	v0 =	vsel vm0, $0x330, v0;
	vm0 =	vcmask $0x1310  }
0xa: {  	s5 =	sadd.s32 s5, s1;
	_ =	strace $0x80000047;
	s6 =	ssub.s32 s4, s24;
	v0 =	vsel vm0, $0x440, v0;
	vm0 =	vcmask $0x1714  }
0xb: {  	s4 =	sadd.s32 s26, s7;
	s24 =	simm.s32 $0x770;
	s0 =	sadd.s32 s3, s0;
	v0 =	vsel vm0, $0x550, v0;
	vm0 =	vcmask $0x1B18  }
0xc: {  	s26 =	simm.s32 $0x990;
	s6 =	smax.u32 s6, $0x1;
	s3 =	sadd.s32 $0x800, s0;
	v0 =	vsel vm0, $0x660, v0;
	vm0 =	vcmask $0x1F1C  }
0xd: {  	s7 =	sadd.s32 $0x820, s0;
	s8 =	sadd.s32 $0x840, s0;
	s9 =	sadd.s32 $0x860, s0;
	v0 =	vsel vm0, $0x770, v0;
	vm0 =	vcmask $0x2320  }
0xe: {  	s10 =	sadd.s32 $0x880, s0;
	s11 =	sadd.s32 $0x8A0, s0;
	s12 =	sadd.s32 $0x8C0, s0;
	v0 =	vsel vm0, $0x880, v0;
	vm0 =	vcmask $0x2724  }
0xf: {  	s13 =	sadd.s32 $0x8E0, s0;
	s14 =	sadd.s32 $0x900, s0;
	s15 =	sadd.s32 $0x920, s0;
	v0 =	vsel vm0, $0x990, v0;
	vm0 =	vcmask $0x2B28  }
0x10: {  	s16 =	sadd.s32 $0x940, s0;
	s17 =	sadd.s32 $0x960, s0;
	s0 =	simm.s32 $0x0;
	v0 =	vsel vm0, $0xAA0, v0;
	vm0 =	vmmov $0xfff  }
.LBB2_1:
0x11: {  	[tilespmem:s2], [sflag:$0x1] =	stream.linear.gather [hbm4b:s3+s2], $0x100, $0x38;
	[tilespmem:$0xDE0] =	vst v63  }
0x12: {  	s1 =	simm.s32 $0x110  }
0x13: {  	[tilespmem:s1], [sflag:$0x1] =	stream.linear.gather [hbm4b:s7+s2], $0x100, $0x38;
	[tilespmem:$0xDE0] =	vst v63  }
0x14: {  	s18 =	simm.s32 $0x220  }
0x15: {  	[tilespmem:s18], [sflag:$0x1] =	stream.linear.gather [hbm4b:s8+s2], $0x100, $0x38;
	[tilespmem:$0xDE0] =	vst v63  }
0x16: {  	_ = 	snop  }
0x17: {  	[tilespmem:s20], [sflag:$0x1] =	stream.linear.gather [hbm4b:s9+s2], $0x100, $0x38;
	[tilespmem:$0xDE0] =	vst v63  }
0x18: {  	_ = 	snop  }
0x19: {  	[tilespmem:s21], [sflag:$0x1] =	stream.linear.gather [hbm4b:s10+s2], $0x100, $0x38;
	[tilespmem:$0xDE0] =	vst v63  }
0x1a: {  	_ = 	snop  }
0x1b: {  	[tilespmem:s22], [sflag:$0x1] =	stream.linear.gather [hbm4b:s11+s2], $0x100, $0x38;
	[tilespmem:$0xDE0] =	vst v63  }
0x1c: {  	_ = 	snop  }
0x1d: {  	[tilespmem:s23], [sflag:$0x1] =	stream.linear.gather [hbm4b:s12+s2], $0x100, $0x38;
	[tilespmem:$0xDE0] =	vst v63  }
0x1e: {  	_ = 	snop  }
0x1f: {  	[tilespmem:s24], [sflag:$0x1] =	stream.linear.gather [hbm4b:s13+s2], $0x100, $0x38;
	[tilespmem:$0xDE0] =	vst v63  }
0x20: {  	_ = 	snop  }
0x21: {  	[tilespmem:s25], [sflag:$0x1] =	stream.linear.gather [hbm4b:s14+s2], $0x100, $0x38;
	[tilespmem:$0xDE0] =	vst v63  }
0x22: {  	_ = 	snop  }
0x23: {  	[tilespmem:s26], [sflag:$0x1] =	stream.linear.gather [hbm4b:s15+s2], $0x100, $0x38;
	[tilespmem:$0xDE0] =	vst v63  }
0x24: {  	v1 =	vmov s2  }
0x25: {  	v1 =	vand.u32 $0xFE, v1;
	[tilespmem:s28], [sflag:$0x1] =	stream.linear.gather [hbm4b:s16+s2], $0x100, $0x38;
	[tilespmem:$0xDE0] =	vst v63  }
0x26: {  	v1 =	vadd.s32 v0, v1  }
0x27: {  	v2 =	vor.u32 $0x1, v1;
	[tilespmem:s29], [sflag:$0x1] =	stream.linear.gather [hbm4b:s17+s2], $0x100, $0x38;
	[tilespmem:$0xDE0] =	vst v63  }
0x28: {  	_ =	swait.ge [sflag:s30], $0xC00  }
0x29: {  	[sflag:s30] =	ssyncset.done $0x0  }
0x2a: {  	[sflag:s30] =	ssyncadd.s32 $0xFFFFF400  }
0x2b: {  	v1 =	vld.idx.msk [tilespmem:v1+s2+$0x0], $0xffff  }
0x2c: {  	s19 =	simm.s32 $0x2;
	v2 =	vld.idx.msk [tilespmem:v2+s2+$0x0], $0xffff  }
0x2d: {  	v3 =	vmov s19  }
0x2e: {  	v3 =	vand.u32 $0xFE, v3  }
0x2f: {  	v3 =	vadd.s32 v0, v3  }
0x30: {  	v4 =	vor.u32 $0x1, v3;
	v5 =	vand.u32 $0xFFFFFFFE, v1  }
0x31: {  	v6 =	vand.u32 $0x1, v1;
	v1 =	vand.u32 $0xFFFFFFFE, v2;
	v7 =	vsub.f32 $0.0e+00, v5  }
0x32: {  	v2 =	vand.u32 $0x1, v2;
	vm1 =	veq.s32 v6, $0x0;
	v8 =	vsub.f32 $0.0e+00, v1  }
0x33: {  	vm3 =	veq.s32 v2, $0x0;
	v5 =	vsel vm1, v5, v7  }
0x34: {  	v3 =	vld.idx.msk [tilespmem:v3+s2+$0x0], $0xffff;
	v1 =	vsel vm3, v1, v8;
	v5 =	vmul.f32 $1.442695020e+00, v5  }
0x35: {  	s19 =	simm.s32 $0x6;
	v4 =	vld.idx.msk [tilespmem:v4+s2+$0x0], $0xffff;
	v1 =	vmul.f32 $1.442695020e+00, v1  }
0x36: {  	v13 =	vmov s19;
	s18 =	simm.s32 $0x4;
	(erf) = vpow2.f32 v5  }
0x37: {  	v7 =	vmov s18;
	v5 =	vimm.s32 $0x0;
	(erf) = vpow2.f32 v1  }
0x38: {  	v2 =	vadd.s32 v5, v2;
	v5 =	vadd.s32 v5, v6;
	v6 =	vand.u32 $0xFE, v7  }
0x39: {  	vm4 =	vmmov vm1;
	v9 =	vadd.s32 v0, v6;
	v6 =	vand.u32 $0xFFFFFFFE, v3  }
0x3a: {  	v7 =	vand.u32 $0xFFFFFFFE, v4;
	v3 =	vand.u32 $0x1, v3;
	v8 =	vsub.f32 $0.0e+00, v6  }
0x3b: {  	v4 =	vand.u32 $0x1, v4;
	v10 =	vsub.f32 $0.0e+00, v7;
	vm2 =	veq.s32 v3, $0x0  }
0x3c: {  	vm1 =	veq.s32 v4, $0x0;
	v11 =	vor.u32 $0x1, v9;
	v6 =	vsel vm2, v6, v8  }
0x3d: {  	vm3 =	vmmov vm3;
	v10 =	vsel vm1, v7, v10;
	v8 =	vmul.f32 $1.442695020e+00, v6  }
0x3e: {  	v1 =	vimm.f32 $0.0e+00;
	v7 =	vadd.s32 v2, v4;
	v2 =	vmul.f32 $1.442695020e+00, v10  }
0x3f: {  	v4 =	vimm.f32 $0.0e+00;
	v6 =	vadd.s32 v5, v3;
	v3 =	vpop (erf);
	(erf) = vpow2.f32 v8  }
0x40: {  	v12 =	vld.idx.msk [tilespmem:v9+s2+$0x0], $0xffff;
	v8 =	vnsel vm4, $0x0, v3;
	v5 =	vsel vm4, $0x0, v3;
	v10 =	vpop (erf);
	(erf) = vpow2.f32 v2  }
0x41: {  	s1 =	simm.s32 $0x8;
	v11 =	vld.idx.msk [tilespmem:v11+s2+$0x0], $0xffff;
	v3 =	vimm.f32 $0.0e+00;
	v2 =	vimm.f32 $0.0e+00;
	v9 =	vsel vm3, $0x0, v10  }
.LBB2_2:
0x42: {  	v13 =	vand.u32 $0xFE, v13;
	v10 =	vnsel vm3, $0x0, v10  }
0x43: {  	p1 =	sne.s32 s1, $0xFE;
	v1 =	vadd.f32 v9, v1;
	vm4 =	vmmov vm2;
	vm3 =	vmmov vm1  }
0x44: {  	v3 =	vadd.f32 v8, v3;
	v9 =	vadd.s32 v0, v13;
	v4 =	vadd.f32 v10, v4  }
0x45: {  	v10 =	vand.u32 $0x1, v12;
	v12 =	vand.u32 $0xFFFFFFFE, v12;
	v8 =	vor.u32 $0x1, v9  }
0x46: {  	v13 =	vand.u32 $0xFFFFFFFE, v11;
	vm2 =	veq.s32 v10, $0x0;
	v14 =	vsub.f32 $0.0e+00, v12  }
0x47: {  	v2 =	vadd.f32 v5, v2;
	v11 =	vand.u32 $0x1, v11;
	v15 =	vsub.f32 $0.0e+00, v13  }
.Ltmp0:
0x48: {  	vm1 =	veq.s32 v11, $0x0;
	v7 =	vadd.s32 v7, v11;
	v5 =	vsel vm2, v12, v14;
	(pc) =	sbr.rel @p1 .LBB2_2-.Ltmp0, $4  }
0x49: {  	v6 =	vadd.s32 v6, v10;
	v5 =	vmul.f32 $1.442695020e+00, v5;
	v12 =	vld.idx.msk [tilespmem:v9+s2+$0x0], $0xffff;
	v9 =	vsel vm1, v13, v15  }
0x4a: {  	v11 =	vld.idx.msk [tilespmem:v8+s2+$0x0], $0xffff;
	v9 =	vmul.f32 $1.442695020e+00, v9;
	v10 =	vpop (erf)  }
0x4b: {  	(erf) = vpow2.f32 v5;
	v8 =	vnsel vm4, $0x0, v10;
	v5 =	vsel vm4, $0x0, v10;
	v10 =	vpop (erf)  }
0x4c: {  	v13 =	vmov s1;
	s1 =	sadd.s32 $0x2, s1;
	(erf) = vpow2.f32 v9;
	v9 =	vsel vm3, $0x0, v10  }
0x4d: {  	v13 =	vand.u32 $0xFE, v13  }
0x4e: {  	v13 =	vadd.s32 v0, v13  }
0x4f: {  	v14 =	vor.u32 $0x1, v13;
	_ =	sdelay $0x3  }
0x50: {  	v10 =	vnsel vm3, $0x0, v10;
	vm2 =	vmmov vm2;
	v13 =	vld.idx.msk [tilespmem:v13+s2+$0x0], $0xffff  }
0x51: {  	v15 =	vand.u32 $0xFFFFFFFE, v12;
	v41 =	vand.u32 $0x1, v12;
	v16 =	vand.u32 $0xFFFFFFFE, v11;
	v14 =	vld.idx.msk [tilespmem:v14+s2+$0x0], $0xffff  }
0x52: {  	v17 =	vsub.f32 $0.0e+00, v15;
	v42 =	vand.u32 $0x1, v11;
	v18 =	vsub.f32 $0.0e+00, v16  }
0x53: {  	vm4 =	veq.s32 v41, $0x0;
	v6 =	vadd.s32 v6, v41;
	vm5 =	veq.s32 v42, $0x0  }
0x54: {  	v7 =	vadd.s32 v7, v42;
	v15 =	vsel vm4, v15, v17;
	v16 =	vsel vm5, v16, v18  }
0x55: {  	v15 =	vmul.f32 $1.442695020e+00, v15;
	v16 =	vmul.f32 $1.442695020e+00, v16;
	v43 =	vand.u32 $0xFFFFFFFE, v13  }
0x56: {  	v44 =	vand.u32 $0x1, v13;
	v45 =	vand.u32 $0xFFFFFFFE, v14;
	v46 =	vsub.f32 $0.0e+00, v43  }
0x57: {  	vm6 =	veq.s32 v44, $0x0;
	v14 =	vand.u32 $0x1, v14;
	v47 =	vsub.f32 $0.0e+00, v45  }
0x58: {  	(erf) = vpow2.f32 v15;
	vm3 =	veq.s32 v14, $0x0;
	v11 =	vsel vm6, v43, v46  }
0x59: {  	(erf) = vpow2.f32 v16;
	v13 =	vsel vm3, v45, v47;
	v11 =	vmul.f32 $1.442695020e+00, v11  }
0x5a: {  	v6 =	vadd.s32 v6, v44;
	v7 =	vadd.s32 v7, v14;
	v13 =	vmul.f32 $1.442695020e+00, v13  }
0x5b: {  	v1 =	vadd.f32 v9, v1;
	v48 =	vpop (erf);
	v6 =	vadd.s32 v6, v7;
	(erf) = vpow2.f32 v11  }
0x5c: {  	v3 =	vadd.f32 v8, v3;
	v6 =	vcvt.s32.f32 v6;
	(erf) = vpow2.f32 v13  }
0x5d: {  	vm1 =	vmmov vm1;
	v2 =	vadd.f32 v5, v2;
	v4 =	vadd.f32 v10, v4  }
0x5e: {  	v49 =	vnsel vm2, $0x0, v48;
	v50 =	vsel vm2, $0x0, v48;
	v51 =	vpop (erf);
	v53 =	vsub.f32 $2.560000000e+02, v6  }
0x5f: {  	vm2 =	vmmov vm5;
	v52 =	vsel vm1, $0x0, v51;
	v54 =	vnsel vm1, $0x0, v51  }
0x60: {  	v3 =	vadd.f32 v49, v3;
	v2 =	vadd.f32 v50, v2;
	v6 =	vmul.f32 v6, v53  }
0x61: {  	vm1 =	vmmov vm4;
	v1 =	vadd.f32 v52, v1;
	v4 =	vadd.f32 v54, v4;
	v55 =	vpop (erf)  }
0x62: {  	v56 =	vpop (erf);
	v57 =	vnsel vm1, $0x0, v55;
	v5 =	vsel vm1, $0x0, v55;
	v6 =	vmul.f32 $1.024000000e+03, v6  }
0x63: {  	vm1 =	vmmov vm6;
	v58 =	vsel vm2, $0x0, v56;
	v7 =	vnsel vm2, $0x0, v56  }
0x64: {  	v3 =	vadd.f32 v57, v3;
	v2 =	vadd.f32 v5, v2;
	v59 =	vpop (erf);
	(erf) = vrcp.f32 v6  }
0x65: {  	vm2 =	vmmov vm3;
	v1 =	vadd.f32 v58, v1;
	v4 =	vadd.f32 v7, v4;
	v60 =	vpop (erf)  }
0x66: {  	v61 =	vnsel vm1, $0x0, v59;
	v62 =	vsel vm1, $0x0, v59;
	v63 =	vsel vm2, $0x0, v60  }
0x67: {  	v5 =	vnsel vm2, $0x0, v60;
	v3 =	vadd.f32 v61, v3;
	v2 =	vadd.f32 v62, v2  }
0x68: {  	v1 =	vadd.f32 v63, v1;
	v4 =	vadd.f32 v5, v4;
	_ =	sdelay $0x1  }
0x69: {  	v3 =	vadd.f32 v4, v3;
	v1 =	vadd.f32 v1, v2;
	_ =	sdelay $0x1  }
0x6a: {  	v1 =	vmul.f32 v1, v3  }
0x6b: {  	v2 =	vpop (erf)  }
0x6c: {  	v1 =	vmul.f32 v2, v1;
	_ =	sdelay $0x1  }
0x6d: {  	v1 =	vnsel vm0, $0x0, v1  }
0x6e: {  	[tilespmem:$0xCC0] =	vst v1  }
0x6f: {  	[spmem:s4] =	stream.linear.scatter [tilespmem:s31], [sflag:$0x1], $0x10, $0x38;
	[tilespmem:$0xDE0] =	vst v63  }
0x70: {  	_ =	swait.ge [sflag:s30], $0x10  }
0x71: {  	[sflag:s30] =	ssyncset.done $0x0  }
0x72: {  	[sflag:s30] =	ssyncadd.s32 $0xFFFFFFF0  }
0x73: {  	[bflag:$0x0] =	sbarrier.arrive $0xFFFF  }
0x74: {  	s1 =	simm.s32 @!p0 $0xCD0;
	s18 =	rddreg [dreg:$0x2]  }
0x75: {  	[tilespmem:s1], [sflag:$0x1] =	stream.linear.gather @!p0 [spmem:s18], $0x100, $0x38;
	[tilespmem:$0xDE0] =	vst v63  }
0x76: {  	s1 =	simm.s32 @!p0 $0x1  }
0x77: {  	_ =	swait.ge @!p0 [sflag:s1], $0x100  }
0x78: {  	[sflag:s1] =	ssyncset.done @!p0 $0x0  }
0x79: {  	[sflag:s1] =	ssyncadd.s32 @!p0 $0xFFFFFF00  }
0x7a: {  	v1 =	vld @!p0 [tilespmem:$0xCD0];
	_ =	sdelay $0x1  }
0x7b: {  	v2 =	vld @!p0 [tilespmem:$0xCE0];
	_ =	sdelay $0x1  }
0x7c: {  	v3 =	vld @!p0 [tilespmem:$0xCF0]  }
0x7d: {  	v1 =	vadd.f32 @!p0 $0.0e+00, v1  }
0x7e: {  	v4 =	vld @!p0 [tilespmem:$0xD00]  }
0x7f: {  	v1 =	vadd.f32 @!p0 v2, v1  }
0x80: {  	v2 =	vld @!p0 [tilespmem:$0xD10]  }
0x81: {  	v1 =	vadd.f32 @!p0 v3, v1  }
0x82: {  	v3 =	vld @!p0 [tilespmem:$0xD20]  }
0x83: {  	v1 =	vadd.f32 @!p0 v4, v1  }
0x84: {  	v4 =	vld @!p0 [tilespmem:$0xD30]  }
0x85: {  	v1 =	vadd.f32 @!p0 v2, v1  }
0x86: {  	v2 =	vld @!p0 [tilespmem:$0xD40]  }
0x87: {  	v1 =	vadd.f32 @!p0 v3, v1  }
0x88: {  	v3 =	vld @!p0 [tilespmem:$0xD50]  }
0x89: {  	v1 =	vadd.f32 @!p0 v4, v1  }
0x8a: {  	v4 =	vld @!p0 [tilespmem:$0xD60]  }
0x8b: {  	v1 =	vadd.f32 @!p0 v2, v1  }
0x8c: {  	v2 =	vld @!p0 [tilespmem:$0xD70]  }
0x8d: {  	v1 =	vadd.f32 @!p0 v3, v1  }
0x8e: {  	v3 =	vld @!p0 [tilespmem:$0xD80]  }
0x8f: {  	v1 =	vadd.f32 @!p0 v4, v1  }
0x90: {  	v4 =	vld @!p0 [tilespmem:$0xD90]  }
0x91: {  	v1 =	vadd.f32 @!p0 v2, v1  }
0x92: {  	v2 =	vld @!p0 [tilespmem:$0xDA0]  }
0x93: {  	v1 =	vadd.f32 @!p0 v3, v1  }
0x94: {  	v3 =	vld @!p0 [tilespmem:$0xDB0]  }
0x95: {  	v1 =	vadd.f32 @!p0 v4, v1  }
0x96: {  	v4 =	vld @!p0 [tilespmem:$0xDC0]  }
0x97: {  	v1 =	vadd.f32 @!p0 v2, v1;
	_ =	sdelay $0x1  }
0x98: {  	v1 =	vadd.f32 @!p0 v3, v1;
	_ =	sdelay $0x1  }
0x99: {  	v1 =	vadd.f32 @!p0 v4, v1;
	_ =	sdelay $0x1  }
0x9a: {  	(xrf2) =	vadd.scan.msk.f32 @!p0 $0xffff, v1;
	_ =	sdelay $0x9  }
0x9b: {  	v1, _, _ =	vpop @!p0 (xrf2)  }
0x9c: {  	v1 =	vadd.f32 @!p0 $0.0e+00, v1;
	_ =	sdelay $0x1  }
0x9d: {  	s0 =	sadd.s32 $0x1, s0;
	v1 =	vbroadcast @!p0 v1, $0xF  }
0x9e: {  	p1 =	sne.s32 s0, s6  }
.Ltmp1:
0x9f: {  	s19 =	simm.s32 @!p0 $0xCC0;
	s18 =	simm.s32 @!p0 $0x0;
	[tilespmem:$0xCC0] =	vst @!p0 v1;
	(pc) =	sbr.rel @p1 .LBB2_1-.Ltmp1, $4  }
0xa0: {  	[hbm4b:s5+s18] =	stream.linear.scatter @!p0 [tilespmem:s19], [sflag:$0x1], $0x10, $0x38;
	[tilespmem:$0xDE0] =	vst v63  }
0xa1: {  	_ =	swait.ge @!p0 [sflag:s1], $0x10  }
0xa2: {  	[sflag:s1] =	ssyncset.done @!p0 $0x0  }
0xa3: {  	[sflag:s1] =	ssyncadd.s32 @!p0 $0xFFFFFFF0  }
0xa4: {  	_ =	sfence.sel $0x180000  }
0xa5: {  	[bflag:$0x0] =	sbarrier.arrive $0xFFFF  }
0xa6: {  	_ =	strace $0x90000047  }
0xa7: {  	[bflag:$0x2] =	sbarrier.arrive $0xFFFF  }
0xa8: {  	s0 =	rddreg [dreg:$0x3]  }
0xa9: {  	s0 =	sadd.s32 @!p0 $0x100000, s0  }
0xaa: {  	[sflag:s0] =	ssyncadd.tile.s32 @!p0 $0x1;
	_ =	shalt  }
.Lfunc_end2:
_tile_overlayer_lowered:
.L_overlay_start_2:
0xab: {  	(tag) =	ssettag $0x2  }
0xac: {  	s0 =	rddreg [dreg:$0x0];
	s2 =	stileid.u32  }
0xad: {  	s1 =	rddreg [dreg:$0x1];
	p0 =	sne.s32 s2, $0x0  }
0xae: {  	s3 =	rddreg [dreg:$0x2];
	[bflag:$0x3] =	sbarrier.arrive $0xFFFF;
	s2 =	simm.s32 @!p0 $0x1C01  }
0xaf: {  	[timem:s3], [sflag:s2] =	dma.local @!p0 [hbm:s0], s1  }
0xb0: {  	s0 =	simm.s32 @!p0 $0x1  }
0xb1: {  	_ =	swait.ge @!p0 [sflag:s0], s1  }
0xb2: {  	s1 =	ssub.s32 @!p0 $0x0, s1;
	[sflag:s0] =	ssyncset.done @!p0 $0x0  }
0xb3: {  	[sflag:s0] =	ssyncadd.s32 @!p0 s1  }
0xb4: {  	[bflag:$0x3] =	sbarrier.arrive $0xFFFF  }
0xb5: {  	_ =	shalt  }

</sc_bundles>
